<compile_context>
chip_gen: v7x
topology: tpu7x:2x2x1
jax: 0.10.2.dev20260603
libtpu: 0.0.44.dev20260713+nightly
codegen_flags: <defaults>
</compile_context>

<pallas_src>
import functools

import jax
import jax.numpy as jnp
from jax import lax
from jax.experimental import pallas as pl
from jax.experimental.pallas import tpu as pltpu
from jax.experimental.pallas import tpu_sc as plsc

N = 10000
E = 320000
D = 128
H = 8
DH = 16
S = 32

NC = 2
NS = 16
NW = NC * NS
NP = 10240
CH = 128
NCHUNK = 80
EP = NW * NCHUNK * CH
RPT = NP // NS
NBLK = NP // 128
SPARE = NP - N

_MASKVAL = -1e30


def _deg_kernel(dst_hbm, out_hbm, didx_all, ones_v, out_sp):
    cid = lax.axis_index("c")
    sid = lax.axis_index("s")
    wid = sid * NC + cid

    pltpu.sync_copy(dst_hbm.at[wid], didx_all)

    @pl.loop(0, CH)
    def _z(i):
        for c in range(8):
            ones_v[i, pl.ds(c * 16, 16)] = jnp.zeros((16,), jnp.float32)

    for r in range(RPT // CH):
        pltpu.sync_copy(ones_v, out_sp.at[pl.ds(sid * RPT + r * CH, CH)])

    @pl.loop(0, CH)
    def _o(i):
        for c in range(8):
            ones_v[i, pl.ds(c * 16, 16)] = jnp.ones((16,), jnp.float32)

    plsc.subcore_barrier()

    @pl.loop(0, NCHUNK)
    def _main(j):
        pltpu.sync_copy(ones_v, out_sp.at[didx_all.at[j]], add=True)

    plsc.subcore_barrier()
    pltpu.sync_copy(out_sp.at[pl.ds(sid * RPT, RPT)],
                    out_hbm.at[cid, pl.ds(sid * RPT, RPT)])


@jax.jit
def _deg_call(dst_idx):
    return pl.kernel(
        _deg_kernel,
        out_type=jax.ShapeDtypeStruct((NC, NP, D), jnp.float32),
        mesh=plsc.VectorSubcoreMesh(core_axis_name="c", subcore_axis_name="s"),
        scratch_types=[
            pltpu.VMEM((NCHUNK, CH), jnp.int32),
            pltpu.VMEM((CH, D), jnp.float32),
            pltpu.VMEM_SHARED((NP, D), jnp.float32),
        ],
    )(dst_idx)


def _prop_kernel(ys_hbm, src_hbm, dst_hbm, out_hbm,
                 s0, d0, s1, d1, rows0, rows1, out_sp, g0, g1):
    cid = lax.axis_index("c")
    sid = lax.axis_index("s")
    wid = sid * NC + cid

    @pl.loop(0, CH)
    def _z(i):
        for c in range(8):
            rows0[i, pl.ds(c * 16, 16)] = jnp.zeros((16,), jnp.float32)

    for r in range(RPT // CH):
        pltpu.sync_copy(rows0, out_sp.at[pl.ds(sid * RPT + r * CH, CH)])
    plsc.subcore_barrier()

    pltpu.sync_copy(src_hbm.at[wid, 0], s0)
    pltpu.sync_copy(dst_hbm.at[wid, 0], d0)
    pltpu.async_copy(ys_hbm.at[s0], rows0, g0)
    pltpu.sync_copy(src_hbm.at[wid, 1], s1)
    pltpu.sync_copy(dst_hbm.at[wid, 1], d1)
    pltpu.async_copy(ys_hbm.at[s1], rows1, g1)

    @pl.loop(0, NCHUNK // 2)
    def _main(i):
        j0 = i * 2
        pltpu.make_async_copy(ys_hbm.at[s0], rows0, g0).wait()
        pltpu.sync_copy(rows0, out_sp.at[d0], add=True)

        @pl.when(i < NCHUNK // 2 - 1)
        def _pref0():
            pltpu.sync_copy(src_hbm.at[wid, j0 + 2], s0)
            pltpu.sync_copy(dst_hbm.at[wid, j0 + 2], d0)
            pltpu.async_copy(ys_hbm.at[s0], rows0, g0)

        pltpu.make_async_copy(ys_hbm.at[s1], rows1, g1).wait()
        pltpu.sync_copy(rows1, out_sp.at[d1], add=True)

        @pl.when(i < NCHUNK // 2 - 1)
        def _pref1():
            pltpu.sync_copy(src_hbm.at[wid, j0 + 3], s1)
            pltpu.sync_copy(dst_hbm.at[wid, j0 + 3], d1)
            pltpu.async_copy(ys_hbm.at[s1], rows1, g1)

    plsc.subcore_barrier()
    pltpu.sync_copy(out_sp.at[pl.ds(sid * RPT, RPT)],
                    out_hbm.at[cid, pl.ds(sid * RPT, RPT)])


@jax.jit
def _prop_call(ys, src_idx, dst_idx):
    return pl.kernel(
        _prop_kernel,
        out_type=jax.ShapeDtypeStruct((NC, NP, D), jnp.float32),
        mesh=plsc.VectorSubcoreMesh(core_axis_name="c", subcore_axis_name="s"),
        scratch_types=[
            pltpu.VMEM((CH,), jnp.int32),
            pltpu.VMEM((CH,), jnp.int32),
            pltpu.VMEM((CH,), jnp.int32),
            pltpu.VMEM((CH,), jnp.int32),
            pltpu.VMEM((CH, D), jnp.float32),
            pltpu.VMEM((CH, D), jnp.float32),
            pltpu.VMEM_SHARED((NP, D), jnp.float32),
            pltpu.SemaphoreType.DMA,
            pltpu.SemaphoreType.DMA,
        ],
    )(ys, src_idx, dst_idx)


def _tc0_kernel(deg0_ref, deg1_ref, x_ref, dinv_ref, ys_ref):
    i = pl.program_id(0)
    deg = deg0_ref[...] + deg1_ref[...]
    rows = i * 128 + lax.broadcasted_iota(jnp.int32, (128, D), 0)
    dinv_rep = jnp.where(rows < N, lax.rsqrt(deg + 1.0), 0.0)
    dinv_ref[...] = dinv_rep
    ys_ref[...] = x_ref[...] * dinv_rep


@jax.jit
def _tc0(deg_parts, x_pad):
    bd = lambda: pl.BlockSpec((128, D), lambda i: (i, 0))
    return pl.pallas_call(
        _tc0_kernel,
        grid=(NBLK,),
        in_specs=[bd(), bd(), bd()],
        out_specs=[bd(), bd()],
        out_shape=[jax.ShapeDtypeStruct((NP, D), jnp.float32),
                   jax.ShapeDtypeStruct((NP, D), jnp.float32)],
    )(deg_parts[0], deg_parts[1], x_pad)


def _tc1_kernel(u0_ref, u1_ref, ys_ref, dinv_ref, w_ref, b_ref, out_ref):
    dinv = dinv_ref[...]
    p = dinv * (u0_ref[...] + u1_ref[...] + ys_ref[...])
    h = jnp.maximum(jnp.dot(p, w_ref[...],
                            preferred_element_type=jnp.float32) + b_ref[...], 0.0)
    out_ref[...] = dinv * h


@jax.jit
def _tc1(u0, u1, ys, dinv_rep, w, b):
    bd = lambda: pl.BlockSpec((128, D), lambda i: (i, 0))
    full = lambda r: pl.BlockSpec((r, D), lambda i: (0, 0))
    return pl.pallas_call(
        _tc1_kernel,
        grid=(NBLK,),
        in_specs=[bd(), bd(), bd(), bd(), full(D), full(1)],
        out_specs=bd(),
        out_shape=jax.ShapeDtypeStruct((NP, D), jnp.float32),
    )(u0, u1, ys, dinv_rep, w, b.reshape(1, D))


def _head_mask(nrep):
    row_h = lax.broadcasted_iota(jnp.int32, (H * nrep, D), 0) // nrep
    col_h = lax.broadcasted_iota(jnp.int32, (H * nrep, D), 1) // DH
    return (row_h == col_h).astype(jnp.float32)


def _tc2_kernel(u0_ref, u1_ref, ys_ref, dinv_ref, wk_ref, bk_ref,
                wv_ref, bv_ref, seed_ref, qw_ref, pooled_ref,
                qbig, m_scr, s_scr, acc_scr):
    i = pl.program_id(0)

    @pl.when(i == 0)
    def _init():
        q = lax.dot_general(seed_ref[...], qw_ref[...],
                            (((1,), (1,)), ((), ())),
                            preferred_element_type=jnp.float32) * (DH ** -0.5)
        qbig[...] = jnp.tile(q, (H, 1)) * _head_mask(S)
        m_scr[...] = jnp.full((H * S, 128), _MASKVAL, jnp.float32)
        s_scr[...] = jnp.zeros((H * S, 128), jnp.float32)
        acc_scr[...] = jnp.zeros((H * S, D), jnp.float32)

    p3 = dinv_ref[...] * (u0_ref[...] + u1_ref[...] + ys_ref[...])
    k = jnp.dot(p3, wk_ref[...], preferred_element_type=jnp.float32) + bk_ref[...]
    v = jnp.dot(p3, wv_ref[...], preferred_element_type=jnp.float32) + bv_ref[...]

    logits = lax.dot_general(qbig[...], k, (((1,), (1,)), ((), ())),
                             preferred_element_type=jnp.float32)
    cols = i * 128 + lax.broadcasted_iota(jnp.int32, (H * S, 128), 1)
    logits = jnp.where(cols < N, logits, _MASKVAL)

    m_old = m_scr[...]
    m_new = jnp.maximum(m_old, jnp.max(logits, axis=-1, keepdims=True))
    alpha = jnp.exp(m_old - m_new)
    probs = jnp.exp(logits - m_new)
    m_scr[...] = jnp.broadcast_to(m_new[:, :1], (H * S, 128))
    s_scr[...] = s_scr[...] * alpha + jnp.sum(probs, axis=-1, keepdims=True)
    acc_scr[...] = acc_scr[...] * alpha[:, :1] + jnp.dot(
        probs, v, preferred_element_type=jnp.float32)

    @pl.when(i == NBLK - 1)
    def _fin():
        att = acc_scr[...] / s_scr[...][:, :1]
        pooled = jnp.zeros((S, D), jnp.float32)
        mask = _head_mask(S)
        for h in range(H):
            pooled = pooled + att[h * S:(h + 1) * S, :] * mask[h * S:(h + 1) * S, :]
        pooled_ref[...] = pooled


@jax.jit
def _tc2(u0, u1, ys, dinv_rep, wk, bk, wv, bv, seed, qw):
    bd = lambda: pl.BlockSpec((128, D), lambda i: (i, 0))
    full = lambda r: pl.BlockSpec((r, D), lambda i: (0, 0))
    return pl.pallas_call(
        _tc2_kernel,
        grid=(NBLK,),
        in_specs=[bd(), bd(), bd(), bd(),
                  full(D), full(1), full(D), full(1), full(S), full(D)],
        out_specs=pl.BlockSpec((S, D), lambda i: (0, 0)),
        out_shape=jax.ShapeDtypeStruct((S, D), jnp.float32),
        scratch_shapes=[pltpu.VMEM((H * S, D), jnp.float32),
                        pltpu.VMEM((H * S, 128), jnp.float32),
                        pltpu.VMEM((H * S, 128), jnp.float32),
                        pltpu.VMEM((H * S, D), jnp.float32)],
        compiler_params=pltpu.CompilerParams(
            dimension_semantics=("arbitrary",)),
    )(u0, u1, ys, dinv_rep, wk, bk.reshape(1, D), wv, bv.reshape(1, D),
      seed, qw)


def _ln(x, g, b):
    mu = jnp.mean(x, -1, keepdims=True)
    var = jnp.mean((x - mu) ** 2, -1, keepdims=True)
    return (x - mu) / jnp.sqrt(var + 1e-5) * g + b


def _tc3_kernel(pooled_ref, a1seed_ref, a1opw_ref, a1opb_ref,
                a1lnhg_ref, a1lnhb_ref, a1ffw_ref, a1ffb_ref,
                a1lnzg_ref, a1lnzb_ref,
                ipw_ref, ipb_ref, op2w_ref, op2b_ref,
                lnh2g_ref, lnh2b_ref, ff2w_ref, ff2b_ref,
                lnz2g_ref, lnz2b_ref,
                wk3_ref, bk3_ref, wv3_ref, bv3_ref,
                a3seed_ref, a3qw_ref, a3opw_ref, a3opb_ref,
                a3lnhg_ref, a3lnhb_ref, a3ffw_ref, a3ffb_ref,
                a3lnzg_ref, a3lnzb_ref, headw_ref, headb_ref,
                out_ref):
    dotT = lambda a, b: lax.dot_general(
        a, b, (((1,), (1,)), ((), ())), preferred_element_type=jnp.float32)

    out1 = dotT(pooled_ref[...], a1opw_ref[...]) + a1opb_ref[...]
    e = _ln(a1seed_ref[...] + out1, a1lnhg_ref[...], a1lnhb_ref[...])
    e = _ln(e + dotT(e, a1ffw_ref[...]) + a1ffb_ref[...],
            a1lnzg_ref[...], a1lnzb_ref[...])

    qkv = dotT(e, ipw_ref[...]) + ipb_ref[...]
    q2 = qkv[:, 0:D] * (DH ** -0.5)
    k2 = qkv[:, D:2 * D]
    v2 = qkv[:, 2 * D:3 * D]
    mask_s = _head_mask(S)
    q2big = jnp.tile(q2, (H, 1)) * mask_s
    logits2 = dotT(q2big, k2)
    a2 = jax.nn.softmax(logits2, axis=-1)
    att2 = jnp.dot(a2, v2, preferred_element_type=jnp.float32)
    out2 = jnp.zeros((S, D), jnp.float32)
    for h in range(H):
        out2 = out2 + att2[h * S:(h + 1) * S, :] * mask_s[h * S:(h + 1) * S, :]
    out2 = dotT(out2, op2w_ref[...]) + op2b_ref[...]
    e2 = _ln(e + out2, lnh2g_ref[...], lnh2b_ref[...])
    e2 = _ln(e2 + dotT(e2, ff2w_ref[...]) + ff2b_ref[...],
             lnz2g_ref[...], lnz2b_ref[...])

    k3 = jnp.dot(e2, wk3_ref[...], preferred_element_type=jnp.float32) + bk3_ref[...]
    v3 = jnp.dot(e2, wv3_ref[...], preferred_element_type=jnp.float32) + bv3_ref[...]
    q3 = dotT(a3seed_ref[...], a3qw_ref[...]) * (DH ** -0.5)
    mask_1 = _head_mask(1)
    q3big = jnp.tile(q3, (H, 1)) * mask_1
    logits3 = dotT(q3big, k3)
    a3 = jax.nn.softmax(logits3, axis=-1)
    att3 = jnp.dot(a3, v3, preferred_element_type=jnp.float32)
    out3 = jnp.sum(att3 * mask_1, axis=0, keepdims=True)
    out3 = dotT(out3, a3opw_ref[...]) + a3opb_ref[...]
    e3 = _ln(a3seed_ref[...] + out3, a3lnhg_ref[...], a3lnhb_ref[...])
    e3 = _ln(e3 + dotT(e3, a3ffw_ref[...]) + a3ffb_ref[...],
             a3lnzg_ref[...], a3lnzb_ref[...])
    out_ref[...] = jax.nn.sigmoid(
        jnp.dot(e3, headw_ref[...], preferred_element_type=jnp.float32)
        + headb_ref[...])


@jax.jit
def _tc3(pooled, p):
    cat = lambda w: w.transpose(1, 0, 2).reshape(D, D)
    row = lambda b: b.reshape(1, -1)
    args = [
        pooled,
        p["a1_seed"], p["a1_opW"], row(p["a1_opb"]),
        row(p["a1_lnhg"]), row(p["a1_lnhb"]), p["a1_ffW"], row(p["a1_ffb"]),
        row(p["a1_lnzg"]), row(p["a1_lnzb"]),
        p["in_projW"], row(p["in_projb"]), p["op2W"], row(p["op2b"]),
        row(p["lnh2g"]), row(p["lnh2b"]), p["ff2W"], row(p["ff2b"]),
        row(p["lnz2g"]), row(p["lnz2b"]),
        cat(p["a3_Wk"]), row(p["a3_bk"]), cat(p["a3_Wv"]), row(p["a3_bv"]),
        p["a3_seed"], p["a3_q"], p["a3_opW"], row(p["a3_opb"]),
        row(p["a3_lnhg"]), row(p["a3_lnhb"]), p["a3_ffW"], row(p["a3_ffb"]),
        row(p["a3_lnzg"]), row(p["a3_lnzb"]), p["headW"], row(p["headb"]),
    ]
    specs = [pl.BlockSpec(a.shape, lambda i: tuple(0 for _ in a.shape))
             for a in args]
    return pl.pallas_call(
        _tc3_kernel,
        grid=(1,),
        in_specs=specs,
        out_specs=pl.BlockSpec((1, D), lambda i: (0, 0)),
        out_shape=jax.ShapeDtypeStruct((1, D), jnp.float32),
    )(*args)


def kernel(x, edge_index, params):
    p = params
    src = edge_index[0]
    dst = edge_index[1]

    npad = EP - E
    pad_idx = (N + (jnp.arange(npad, dtype=jnp.int32) % SPARE))
    src_p = jnp.concatenate([src, pad_idx]).reshape(NW, NCHUNK, CH)
    dst_p = jnp.concatenate([dst, pad_idx]).reshape(NW, NCHUNK, CH)
    x_pad = jnp.pad(x, ((0, NP - N), (0, 0)))

    deg_parts = _deg_call(dst_p)
    dinv_rep, ys1 = _tc0(deg_parts, x_pad)

    u1 = _prop_call(ys1, src_p, dst_p)
    ys2 = _tc1(u1[0], u1[1], ys1, dinv_rep, p["conv1_W"], p["conv1_b"])
    u2 = _prop_call(ys2, src_p, dst_p)
    ys3 = _tc1(u2[0], u2[1], ys2, dinv_rep, p["conv2_W"], p["conv2_b"])
    u3 = _prop_call(ys3, src_p, dst_p)

    cat = lambda w: w.transpose(1, 0, 2).reshape(D, D)
    pooled = _tc2(u3[0], u3[1], ys3, dinv_rep,
                  cat(p["a1_Wk"]), p["a1_bk"].reshape(-1),
                  cat(p["a1_Wv"]), p["a1_bv"].reshape(-1),
                  p["a1_seed"], p["a1_q"])
    return _tc3(pooled, p)

# --- scband reference (transcript-rebuilt; emitter-appended) ---
"""Pipeline reference for scband-graph-multiset-transformer-gnn-52845277610105 (READ-ONLY COPY).

The authoritative reference and input builder live on the scoring server;
editing this copy changes nothing except your own understanding.
"""

import jax, jax.numpy as jnp
import numpy as np

N = 10000
E_EDGES = 320000
D_IN = 128
D = 128
H = 8
DH = D // H
S = 32
D_OUT = 128

def _glorot(key, shape):
    fi, fo = shape[-2], shape[-1]
    lim = float(np.sqrt(6.0 / (fi + fo)))
    return jax.random.uniform(key, shape, minval=-lim, maxval=lim, dtype=jnp.float32)

def _attn_params(key, num_seeds, prefix):
    ks = jax.random.split(key, 8)
    return {
        prefix + "seed": jax.random.normal(ks[0], (num_seeds, D), dtype=jnp.float32) * 0.02,
        prefix + "Wk": _glorot(ks[1], (H, D, DH)), prefix + "bk": jnp.zeros((H, DH), jnp.float32),
        prefix + "Wv": _glorot(ks[2], (H, D, DH)), prefix + "bv": jnp.zeros((H, DH), jnp.float32),
        prefix + "q": _glorot(ks[3], (D, D)),
        prefix + "opW": _glorot(ks[4], (D, D)), prefix + "opb": jnp.zeros(D, jnp.float32),
        prefix + "lnhg": jnp.ones(D, jnp.float32), prefix + "lnhb": jnp.zeros(D, jnp.float32),
        prefix + "lnzg": jnp.ones(D, jnp.float32), prefix + "lnzb": jnp.zeros(D, jnp.float32),
        prefix + "ffW": _glorot(ks[5], (D, D)), prefix + "ffb": jnp.zeros(D, jnp.float32),
    }

def setup_inputs(seed: int = 0):
    key = jax.random.key(seed)
    ks = jax.random.split(key, 12)
    x = jax.random.normal(ks[0], (N, D_IN), dtype=jnp.float32)
    edge_index = jax.random.randint(ks[1], (2, E_EDGES), 0, N, dtype=jnp.int32)
    params = {
        "conv1_W": _glorot(ks[2], (D_IN, D)), "conv1_b": jnp.zeros(D, jnp.float32),
        "conv2_W": _glorot(ks[3], (D, D)), "conv2_b": jnp.zeros(D, jnp.float32),
        "in_projW": _glorot(ks[4], (3 * D, D)), "in_projb": jnp.zeros(3 * D, jnp.float32),
        "op2W": _glorot(ks[5], (D, D)), "op2b": jnp.zeros(D, jnp.float32),
        "lnh2g": jnp.ones(D, jnp.float32), "lnh2b": jnp.zeros(D, jnp.float32),
        "lnz2g": jnp.ones(D, jnp.float32), "lnz2b": jnp.zeros(D, jnp.float32),
        "ff2W": _glorot(ks[6], (D, D)), "ff2b": jnp.zeros(D, jnp.float32),
        "headW": _glorot(ks[7], (D, D_OUT)), "headb": jnp.zeros(D_OUT, jnp.float32),
    }
    params.update(_attn_params(ks[8], S, "a1_"))
    params.update(_attn_params(ks[9], 1, "a3_"))
    return {"x": x, "edge_index": edge_index, "params": params}

def _layer_norm(x, g, b):
    mu = jnp.mean(x, -1, keepdims=True)
    var = jnp.mean((x - mu) ** 2, -1, keepdims=True)
    return (x - mu) / jnp.sqrt(var + 1e-5) * g + b

def _gcn(x, src, dst, W, b, n):
    loop = jnp.arange(n, dtype=src.dtype)
    s = jnp.concatenate([src, loop])
    d = jnp.concatenate([dst, loop])
    deg = jnp.zeros((n,), jnp.float32).at[d].add(1.0)
    dinv = jax.lax.rsqrt(deg)
    norm = dinv[s] * dinv[d]
    h = x @ W
    out = jnp.zeros((n, W.shape[1]), jnp.float32).at[d].add(h[s] * norm[:, None])
    return out + b

def _gmt_conv_attn(x, src, dst, n, p, prefix):
    g = lambda k: p[prefix + k]
    seed = g("seed")
    kh = jnp.stack([_gcn(x, src, dst, g("Wk")[h], g("bk")[h], n) for h in range(H)], 0)
    vh = jnp.stack([_gcn(x, src, dst, g("Wv")[h], g("bv")[h], n) for h in range(H)], 0)
    q = (seed @ g("q").T) * (DH ** -0.5)
    ns = seed.shape[0]
    q = q.reshape(ns, H, DH).transpose(1, 0, 2)
    attn = jax.nn.softmax(q @ kh.transpose(0, 2, 1), axis=-1)
    out = (attn @ vh).transpose(1, 0, 2).reshape(ns, D)
    out = out @ g("opW").T + g("opb")
    e = _layer_norm(seed + out, g("lnhg"), g("lnhb"))
    e = _layer_norm(e + (e @ g("ffW").T + g("ffb")), g("lnzg"), g("lnzb"))
    return e

def _gmt_self_attn(x, p):
    ns = x.shape[0]
    qkv = x @ p["in_projW"].T + p["in_projb"]
    q, k, v = jnp.split(qkv, 3, axis=-1)
    q = (q * (DH ** -0.5)).reshape(ns, H, DH).transpose(1, 0, 2)
    k = k.reshape(ns, H, DH).transpose(1, 0, 2)
    v = v.reshape(ns, H, DH).transpose(1, 0, 2)
    attn = jax.nn.softmax(q @ k.transpose(0, 2, 1), axis=-1)
    out = (attn @ v).transpose(1, 0, 2).reshape(ns, D)
    out = out @ p["op2W"].T + p["op2b"]
    e = _layer_norm(x + out, p["lnh2g"], p["lnh2b"])
    e = _layer_norm(e + (e @ p["ff2W"].T + p["ff2b"]), p["lnz2g"], p["lnz2b"])
    return e

def _forward(x, params, src, dst):
    h = jax.nn.relu(_gcn(x, src, dst, params["conv1_W"], params["conv1_b"], N))
    h = jax.nn.relu(_gcn(h, src, dst, params["conv2_W"], params["conv2_b"], N))
    h = _gmt_conv_attn(h, src, dst, N, params, "a1_")
    h = _gmt_self_attn(h, params)
    loop = jnp.arange(S, dtype=jnp.int32)
    h = _gmt_conv_attn(h, loop, loop, S, params, "a3_")
    return jax.nn.sigmoid(h @ params["headW"] + params["headb"])

def reference(x, edge_index, params):
    return _forward(x, params, edge_index[0], edge_index[1])

if __name__ == "__main__":
    import jax
    _d = setup_inputs()
    print(jax.jit(kernel)(*tuple(_d.values())))

</pallas_src>

<mosaic_0001>
#map = affine_map<(d0, d1) -> (0, 0, 0)>
module attributes {stable_mosaic.version = 14 : i64} {
  func.func @_deg_kernel(%arg0: i32, %arg1: i32, %arg2: memref<32x80x128xi32, #tpu.memory_space<hbm>>, %arg3: memref<2x10240x128xf32, #tpu.memory_space<hbm>>, %arg4: memref<80x128xi32, #tpu.memory_space<vmem>>, %arg5: memref<128x128xf32, #tpu.memory_space<vmem>>, %arg6: memref<10240x128xf32, #tpu.memory_space<vmem_shared>>) attributes {dimension_semantics = [#tpu.dimension_semantics<core_parallel>, #tpu.dimension_semantics<subcore_parallel>], iteration_bounds = array<i64: 2, 16>, scalar_prefetch = 0 : i64, scratch_operands = 3 : i64, tpu.core_type = #tpu.core_type<sc_vector_subcore>, window_params = [{transform_indices = #map}, {transform_indices = #map}]} {
    %mul3A = arith.constant 2 : i32
    %mul3A_0 = arith.muli %arg1, %mul3A : i32
    %add3A = arith.addi %mul3A_0, %arg0 : i32
    "tpu.region"() ({
      %run_scoped3A = tpu.sem_alloc : memref<!tpu.dma_semaphore, #tpu.memory_space<semaphore_mem>>
      %dma_start3A = arith.constant 0 : i32
      %dma_start3A_40 = arith.constant 0 : i32
      %dma_start3A_41 = tpu.memref_slice %arg2[%add3A, %dma_start3A, %dma_start3A_40] : memref<32x80x128xi32, #tpu.memory_space<hbm>> -> memref<1x80x128xi32, #tpu.memory_space<hbm>>
      %dma_start3A_42 = tpu.memref_squeeze %dma_start3A_41 : memref<1x80x128xi32, #tpu.memory_space<hbm>> -> memref<80x128xi32, #tpu.memory_space<hbm>>
      %dma_start3A_43 = arith.constant 0 : i32
      %dma_start3A_44 = arith.constant 0 : i32
      %dma_start3A_45 = tpu.memref_slice %arg2[%add3A, %dma_start3A_43, %dma_start3A_44] : memref<32x80x128xi32, #tpu.memory_space<hbm>> -> memref<1x80x128xi32, #tpu.memory_space<hbm>>
      %dma_start3A_46 = tpu.memref_squeeze %dma_start3A_45 : memref<1x80x128xi32, #tpu.memory_space<hbm>> -> memref<80x128xi32, #tpu.memory_space<hbm>>
      tpu.enqueue_dma source(%dma_start3A_46 : memref<80x128xi32, #tpu.memory_space<hbm>>) target(%arg4 : memref<80x128xi32, #tpu.memory_space<vmem>>) target_semaphore(%run_scoped3A : memref<!tpu.dma_semaphore, #tpu.memory_space<semaphore_mem>>)
      %dma_wait3A = arith.constant 0 : i32
      %dma_wait3A_47 = arith.constant 0 : i32
      %dma_wait3A_48 = tpu.memref_slice %arg2[%add3A, %dma_wait3A, %dma_wait3A_47] : memref<32x80x128xi32, #tpu.memory_space<hbm>> -> memref<1x80x128xi32, #tpu.memory_space<hbm>>
      %dma_wait3A_49 = tpu.memref_squeeze %dma_wait3A_48 : memref<1x80x128xi32, #tpu.memory_space<hbm>> -> memref<80x128xi32, #tpu.memory_space<hbm>>
      %dma_wait3A_50 = arith.constant 0 : i32
      %dma_wait3A_51 = arith.constant 0 : i32
      %dma_wait3A_52 = tpu.memref_slice %arg2[%add3A, %dma_wait3A_50, %dma_wait3A_51] : memref<32x80x128xi32, #tpu.memory_space<hbm>> -> memref<1x80x128xi32, #tpu.memory_space<hbm>>
      %dma_wait3A_53 = tpu.memref_squeeze %dma_wait3A_52 : memref<1x80x128xi32, #tpu.memory_space<hbm>> -> memref<80x128xi32, #tpu.memory_space<hbm>>
      tpu.wait_dma2 semaphore(%run_scoped3A : memref<!tpu.dma_semaphore, #tpu.memory_space<semaphore_mem>>) src(%dma_wait3A_53 : memref<80x128xi32, #tpu.memory_space<hbm>>) dst(%arg4 : memref<80x128xi32, #tpu.memory_space<vmem>>)
      tpu.yield
    }) : () -> ()
    %scan3A = arith.constant 0 : i32
    %scan3A_1 = arith.constant 128 : i32
    %scan3A_2 = arith.addi %scan3A, %scan3A_1 : i32
    %scan3A_3 = arith.constant 1 : i32
    scf.for %scan3A_40 = %scan3A to %scan3A_2 step %scan3A_3  : i32 {
      %mul3A_41 = arith.constant 1 : i32
      %mul3A_42 = arith.muli %scan3A_40, %mul3A_41 : i32
      %add3A_43 = arith.constant 0 : i32
      %add3A_44 = arith.addi %add3A_43, %mul3A_42 : i32
      %broadcast_in_dim3A = arith.constant 0.000000e+00 : f32
      %broadcast_in_dim3A_45 = vector.broadcast %broadcast_in_dim3A : f32 to vector<16xf32>
      %swap3A = arith.index_cast %add3A_44 : i32 to index
      %swap3A_46 = arith.constant 0 : index
      %swap3A_47 = tpu.vector_load %arg5[%swap3A, %swap3A_46] {strides = array<i32>} : memref<128x128xf32, #tpu.memory_space<vmem>>, vector<1x16xf32>,
      %swap3A_48 = vector.shape_cast %swap3A_47 : vector<1x16xf32> to vector<16xf32>
      %swap3A_49 = vector.shape_cast %broadcast_in_dim3A_45 : vector<16xf32> to vector<1x16xf32>
      tpu.vector_store %arg5[%swap3A, %swap3A_46], %swap3A_49 {strides = array<i32>} : memref<128x128xf32, #tpu.memory_space<vmem>>, vector<1x16xf32>,
      %broadcast_in_dim3A_50 = arith.constant 0.000000e+00 : f32
      %broadcast_in_dim3A_51 = vector.broadcast %broadcast_in_dim3A_50 : f32 to vector<16xf32>
      %swap3A_52 = arith.index_cast %add3A_44 : i32 to index
      %swap3A_53 = arith.constant 16 : index
      %swap3A_54 = tpu.vector_load %arg5[%swap3A_52, %swap3A_53] {strides = array<i32>} : memref<128x128xf32, #tpu.memory_space<vmem>>, vector<1x16xf32>,
      %swap3A_55 = vector.shape_cast %swap3A_54 : vector<1x16xf32> to vector<16xf32>
      %swap3A_56 = vector.shape_cast %broadcast_in_dim3A_51 : vector<16xf32> to vector<1x16xf32>
      tpu.vector_store %arg5[%swap3A_52, %swap3A_53], %swap3A_56 {strides = array<i32>} : memref<128x128xf32, #tpu.memory_space<vmem>>, vector<1x16xf32>,
      %broadcast_in_dim3A_57 = arith.constant 0.000000e+00 : f32
      %broadcast_in_dim3A_58 = vector.broadcast %broadcast_in_dim3A_57 : f32 to vector<16xf32>
      %swap3A_59 = arith.index_cast %add3A_44 : i32 to index
      %swap3A_60 = arith.constant 32 : index
      %swap3A_61 = tpu.vector_load %arg5[%swap3A_59, %swap3A_60] {strides = array<i32>} : memref<128x128xf32, #tpu.memory_space<vmem>>, vector<1x16xf32>,
      %swap3A_62 = vector.shape_cast %swap3A_61 : vector<1x16xf32> to vector<16xf32>
      %swap3A_63 = vector.shape_cast %broadcast_in_dim3A_58 : vector<16xf32> to vector<1x16xf32>
      tpu.vector_store %arg5[%swap3A_59, %swap3A_60], %swap3A_63 {strides = array<i32>} : memref<128x128xf32, #tpu.memory_space<vmem>>, vector<1x16xf32>,
      %broadcast_in_dim3A_64 = arith.constant 0.000000e+00 : f32
      %broadcast_in_dim3A_65 = vector.broadcast %broadcast_in_dim3A_64 : f32 to vector<16xf32>
      %swap3A_66 = arith.index_cast %add3A_44 : i32 to index
      %swap3A_67 = arith.constant 48 : index
      %swap3A_68 = tpu.vector_load %arg5[%swap3A_66, %swap3A_67] {strides = array<i32>} : memref<128x128xf32, #tpu.memory_space<vmem>>, vector<1x16xf32>,
      %swap3A_69 = vector.shape_cast %swap3A_68 : vector<1x16xf32> to vector<16xf32>
      %swap3A_70 = vector.shape_cast %broadcast_in_dim3A_65 : vector<16xf32> to vector<1x16xf32>
      tpu.vector_store %arg5[%swap3A_66, %swap3A_67], %swap3A_70 {strides = array<i32>} : memref<128x128xf32, #tpu.memory_space<vmem>>, vector<1x16xf32>,
      %broadcast_in_dim3A_71 = arith.constant 0.000000e+00 : f32
      %broadcast_in_dim3A_72 = vector.broadcast %broadcast_in_dim3A_71 : f32 to vector<16xf32>
      %swap3A_73 = arith.index_cast %add3A_44 : i32 to index
      %swap3A_74 = arith.constant 64 : index
      %swap3A_75 = tpu.vector_load %arg5[%swap3A_73, %swap3A_74] {strides = array<i32>} : memref<128x128xf32, #tpu.memory_space<vmem>>, vector<1x16xf32>,
      %swap3A_76 = vector.shape_cast %swap3A_75 : vector<1x16xf32> to vector<16xf32>
      %swap3A_77 = vector.shape_cast %broadcast_in_dim3A_72 : vector<16xf32> to vector<1x16xf32>
      tpu.vector_store %arg5[%swap3A_73, %swap3A_74], %swap3A_77 {strides = array<i32>} : memref<128x128xf32, #tpu.memory_space<vmem>>, vector<1x16xf32>,
      %broadcast_in_dim3A_78 = arith.constant 0.000000e+00 : f32
      %broadcast_in_dim3A_79 = vector.broadcast %broadcast_in_dim3A_78 : f32 to vector<16xf32>
      %swap3A_80 = arith.index_cast %add3A_44 : i32 to index
      %swap3A_81 = arith.constant 80 : index
      %swap3A_82 = tpu.vector_load %arg5[%swap3A_80, %swap3A_81] {strides = array<i32>} : memref<128x128xf32, #tpu.memory_space<vmem>>, vector<1x16xf32>,
      %swap3A_83 = vector.shape_cast %swap3A_82 : vector<1x16xf32> to vector<16xf32>
      %swap3A_84 = vector.shape_cast %broadcast_in_dim3A_79 : vector<16xf32> to vector<1x16xf32>
      tpu.vector_store %arg5[%swap3A_80, %swap3A_81], %swap3A_84 {strides = array<i32>} : memref<128x128xf32, #tpu.memory_space<vmem>>, vector<1x16xf32>,
      %broadcast_in_dim3A_85 = arith.constant 0.000000e+00 : f32
      %broadcast_in_dim3A_86 = vector.broadcast %broadcast_in_dim3A_85 : f32 to vector<16xf32>
      %swap3A_87 = arith.index_cast %add3A_44 : i32 to index
      %swap3A_88 = arith.constant 96 : index
      %swap3A_89 = tpu.vector_load %arg5[%swap3A_87, %swap3A_88] {strides = array<i32>} : memref<128x128xf32, #tpu.memory_space<vmem>>, vector<1x16xf32>,
      %swap3A_90 = vector.shape_cast %swap3A_89 : vector<1x16xf32> to vector<16xf32>
      %swap3A_91 = vector.shape_cast %broadcast_in_dim3A_86 : vector<16xf32> to vector<1x16xf32>
      tpu.vector_store %arg5[%swap3A_87, %swap3A_88], %swap3A_91 {strides = array<i32>} : memref<128x128xf32, #tpu.memory_space<vmem>>, vector<1x16xf32>,
      %broadcast_in_dim3A_92 = arith.constant 0.000000e+00 : f32
      %broadcast_in_dim3A_93 = vector.broadcast %broadcast_in_dim3A_92 : f32 to vector<16xf32>
      %swap3A_94 = arith.index_cast %add3A_44 : i32 to index
      %swap3A_95 = arith.constant 112 : index
      %swap3A_96 = tpu.vector_load %arg5[%swap3A_94, %swap3A_95] {strides = array<i32>} : memref<128x128xf32, #tpu.memory_space<vmem>>, vector<1x16xf32>,
      %swap3A_97 = vector.shape_cast %swap3A_96 : vector<1x16xf32> to vector<16xf32>
      %swap3A_98 = vector.shape_cast %broadcast_in_dim3A_93 : vector<16xf32> to vector<1x16xf32>
      tpu.vector_store %arg5[%swap3A_94, %swap3A_95], %swap3A_98 {strides = array<i32>} : memref<128x128xf32, #tpu.memory_space<vmem>>, vector<1x16xf32>,
    }
    %scan3A_4 = arith.constant 128 : i32
    %mul3A_5 = arith.constant 640 : i32
    %mul3A_6 = arith.muli %arg1, %mul3A_5 : i32
    %add3A_7 = arith.constant 0 : i32
    %add3A_8 = arith.addi %mul3A_6, %add3A_7 : i32
    "tpu.region"() ({
      %run_scoped3A = tpu.sem_alloc : memref<!tpu.dma_semaphore, #tpu.memory_space<semaphore_mem>>
      %dma_start3A = arith.constant 0 : i32
      %dma_start3A_40 = tpu.memref_slice %arg6[%add3A_8, %dma_start3A] : memref<10240x128xf32, #tpu.memory_space<vmem_shared>> -> memref<128x128xf32, #tpu.memory_space<vmem_shared>>
      %dma_start3A_41 = arith.constant 0 : i32
      %dma_start3A_42 = tpu.memref_slice %arg6[%add3A_8, %dma_start3A_41] : memref<10240x128xf32, #tpu.memory_space<vmem_shared>> -> memref<128x128xf32, #tpu.memory_space<vmem_shared>>
      tpu.enqueue_dma source(%arg5 : memref<128x128xf32, #tpu.memory_space<vmem>>) target(%dma_start3A_42 : memref<128x128xf32, #tpu.memory_space<vmem_shared>>) target_semaphore(%run_scoped3A : memref<!tpu.dma_semaphore, #tpu.memory_space<semaphore_mem>>)
      %dma_wait3A = arith.constant 0 : i32
      %dma_wait3A_43 = tpu.memref_slice %arg6[%add3A_8, %dma_wait3A] : memref<10240x128xf32, #tpu.memory_space<vmem_shared>> -> memref<128x128xf32, #tpu.memory_space<vmem_shared>>
      %dma_wait3A_44 = arith.constant 0 : i32
      %dma_wait3A_45 = tpu.memref_slice %arg6[%add3A_8, %dma_wait3A_44] : memref<10240x128xf32, #tpu.memory_space<vmem_shared>> -> memref<128x128xf32, #tpu.memory_space<vmem_shared>>
      tpu.wait_dma2 semaphore(%run_scoped3A : memref<!tpu.dma_semaphore, #tpu.memory_space<semaphore_mem>>) src(%arg5 : memref<128x128xf32, #tpu.memory_space<vmem>>) dst(%dma_wait3A_45 : memref<128x128xf32, #tpu.memory_space<vmem_shared>>)
      tpu.yield
    }) : () -> ()
    %mul3A_9 = arith.constant 640 : i32
    %mul3A_10 = arith.muli %arg1, %mul3A_9 : i32
    %add3A_11 = arith.constant 128 : i32
    %add3A_12 = arith.addi %mul3A_10, %add3A_11 : i32
    "tpu.region"() ({
      %run_scoped3A = tpu.sem_alloc : memref<!tpu.dma_semaphore, #tpu.memory_space<semaphore_mem>>
      %dma_start3A = arith.constant 0 : i32
      %dma_start3A_40 = tpu.memref_slice %arg6[%add3A_12, %dma_start3A] : memref<10240x128xf32, #tpu.memory_space<vmem_shared>> -> memref<128x128xf32, #tpu.memory_space<vmem_shared>>
      %dma_start3A_41 = arith.constant 0 : i32
      %dma_start3A_42 = tpu.memref_slice %arg6[%add3A_12, %dma_start3A_41] : memref<10240x128xf32, #tpu.memory_space<vmem_shared>> -> memref<128x128xf32, #tpu.memory_space<vmem_shared>>
      tpu.enqueue_dma source(%arg5 : memref<128x128xf32, #tpu.memory_space<vmem>>) target(%dma_start3A_42 : memref<128x128xf32, #tpu.memory_space<vmem_shared>>) target_semaphore(%run_scoped3A : memref<!tpu.dma_semaphore, #tpu.memory_space<semaphore_mem>>)
      %dma_wait3A = arith.constant 0 : i32
      %dma_wait3A_43 = tpu.memref_slice %arg6[%add3A_12, %dma_wait3A] : memref<10240x128xf32, #tpu.memory_space<vmem_shared>> -> memref<128x128xf32, #tpu.memory_space<vmem_shared>>
      %dma_wait3A_44 = arith.constant 0 : i32
      %dma_wait3A_45 = tpu.memref_slice %arg6[%add3A_12, %dma_wait3A_44] : memref<10240x128xf32, #tpu.memory_space<vmem_shared>> -> memref<128x128xf32, #tpu.memory_space<vmem_shared>>
      tpu.wait_dma2 semaphore(%run_scoped3A : memref<!tpu.dma_semaphore, #tpu.memory_space<semaphore_mem>>) src(%arg5 : memref<128x128xf32, #tpu.memory_space<vmem>>) dst(%dma_wait3A_45 : memref<128x128xf32, #tpu.memory_space<vmem_shared>>)
      tpu.yield
    }) : () -> ()
    %mul3A_13 = arith.constant 640 : i32
    %mul3A_14 = arith.muli %arg1, %mul3A_13 : i32
    %add3A_15 = arith.constant 256 : i32
    %add3A_16 = arith.addi %mul3A_14, %add3A_15 : i32
    "tpu.region"() ({
      %run_scoped3A = tpu.sem_alloc : memref<!tpu.dma_semaphore, #tpu.memory_space<semaphore_mem>>
      %dma_start3A = arith.constant 0 : i32
      %dma_start3A_40 = tpu.memref_slice %arg6[%add3A_16, %dma_start3A] : memref<10240x128xf32, #tpu.memory_space<vmem_shared>> -> memref<128x128xf32, #tpu.memory_space<vmem_shared>>
      %dma_start3A_41 = arith.constant 0 : i32
      %dma_start3A_42 = tpu.memref_slice %arg6[%add3A_16, %dma_start3A_41] : memref<10240x128xf32, #tpu.memory_space<vmem_shared>> -> memref<128x128xf32, #tpu.memory_space<vmem_shared>>
      tpu.enqueue_dma source(%arg5 : memref<128x128xf32, #tpu.memory_space<vmem>>) target(%dma_start3A_42 : memref<128x128xf32, #tpu.memory_space<vmem_shared>>) target_semaphore(%run_scoped3A : memref<!tpu.dma_semaphore, #tpu.memory_space<semaphore_mem>>)
      %dma_wait3A = arith.constant 0 : i32
      %dma_wait3A_43 = tpu.memref_slice %arg6[%add3A_16, %dma_wait3A] : memref<10240x128xf32, #tpu.memory_space<vmem_shared>> -> memref<128x128xf32, #tpu.memory_space<vmem_shared>>
      %dma_wait3A_44 = arith.constant 0 : i32
      %dma_wait3A_45 = tpu.memref_slice %arg6[%add3A_16, %dma_wait3A_44] : memref<10240x128xf32, #tpu.memory_space<vmem_shared>> -> memref<128x128xf32, #tpu.memory_space<vmem_shared>>
      tpu.wait_dma2 semaphore(%run_scoped3A : memref<!tpu.dma_semaphore, #tpu.memory_space<semaphore_mem>>) src(%arg5 : memref<128x128xf32, #tpu.memory_space<vmem>>) dst(%dma_wait3A_45 : memref<128x128xf32, #tpu.memory_space<vmem_shared>>)
      tpu.yield
    }) : () -> ()
    %mul3A_17 = arith.constant 640 : i32
    %mul3A_18 = arith.muli %arg1, %mul3A_17 : i32
    %add3A_19 = arith.constant 384 : i32
    %add3A_20 = arith.addi %mul3A_18, %add3A_19 : i32
    "tpu.region"() ({
      %run_scoped3A = tpu.sem_alloc : memref<!tpu.dma_semaphore, #tpu.memory_space<semaphore_mem>>
      %dma_start3A = arith.constant 0 : i32
      %dma_start3A_40 = tpu.memref_slice %arg6[%add3A_20, %dma_start3A] : memref<10240x128xf32, #tpu.memory_space<vmem_shared>> -> memref<128x128xf32, #tpu.memory_space<vmem_shared>>
      %dma_start3A_41 = arith.constant 0 : i32
      %dma_start3A_42 = tpu.memref_slice %arg6[%add3A_20, %dma_start3A_41] : memref<10240x128xf32, #tpu.memory_space<vmem_shared>> -> memref<128x128xf32, #tpu.memory_space<vmem_shared>>
      tpu.enqueue_dma source(%arg5 : memref<128x128xf32, #tpu.memory_space<vmem>>) target(%dma_start3A_42 : memref<128x128xf32, #tpu.memory_space<vmem_shared>>) target_semaphore(%run_scoped3A : memref<!tpu.dma_semaphore, #tpu.memory_space<semaphore_mem>>)
      %dma_wait3A = arith.constant 0 : i32
      %dma_wait3A_43 = tpu.memref_slice %arg6[%add3A_20, %dma_wait3A] : memref<10240x128xf32, #tpu.memory_space<vmem_shared>> -> memref<128x128xf32, #tpu.memory_space<vmem_shared>>
      %dma_wait3A_44 = arith.constant 0 : i32
      %dma_wait3A_45 = tpu.memref_slice %arg6[%add3A_20, %dma_wait3A_44] : memref<10240x128xf32, #tpu.memory_space<vmem_shared>> -> memref<128x128xf32, #tpu.memory_space<vmem_shared>>
      tpu.wait_dma2 semaphore(%run_scoped3A : memref<!tpu.dma_semaphore, #tpu.memory_space<semaphore_mem>>) src(%arg5 : memref<128x128xf32, #tpu.memory_space<vmem>>) dst(%dma_wait3A_45 : memref<128x128xf32, #tpu.memory_space<vmem_shared>>)
      tpu.yield
    }) : () -> ()
    %mul3A_21 = arith.constant 640 : i32
    %mul3A_22 = arith.muli %arg1, %mul3A_21 : i32
    %add3A_23 = arith.constant 512 : i32
    %add3A_24 = arith.addi %mul3A_22, %add3A_23 : i32
    "tpu.region"() ({
      %run_scoped3A = tpu.sem_alloc : memref<!tpu.dma_semaphore, #tpu.memory_space<semaphore_mem>>
      %dma_start3A = arith.constant 0 : i32
      %dma_start3A_40 = tpu.memref_slice %arg6[%add3A_24, %dma_start3A] : memref<10240x128xf32, #tpu.memory_space<vmem_shared>> -> memref<128x128xf32, #tpu.memory_space<vmem_shared>>
      %dma_start3A_41 = arith.constant 0 : i32
      %dma_start3A_42 = tpu.memref_slice %arg6[%add3A_24, %dma_start3A_41] : memref<10240x128xf32, #tpu.memory_space<vmem_shared>> -> memref<128x128xf32, #tpu.memory_space<vmem_shared>>
      tpu.enqueue_dma source(%arg5 : memref<128x128xf32, #tpu.memory_space<vmem>>) target(%dma_start3A_42 : memref<128x128xf32, #tpu.memory_space<vmem_shared>>) target_semaphore(%run_scoped3A : memref<!tpu.dma_semaphore, #tpu.memory_space<semaphore_mem>>)
      %dma_wait3A = arith.constant 0 : i32
      %dma_wait3A_43 = tpu.memref_slice %arg6[%add3A_24, %dma_wait3A] : memref<10240x128xf32, #tpu.memory_space<vmem_shared>> -> memref<128x128xf32, #tpu.memory_space<vmem_shared>>
      %dma_wait3A_44 = arith.constant 0 : i32
      %dma_wait3A_45 = tpu.memref_slice %arg6[%add3A_24, %dma_wait3A_44] : memref<10240x128xf32, #tpu.memory_space<vmem_shared>> -> memref<128x128xf32, #tpu.memory_space<vmem_shared>>
      tpu.wait_dma2 semaphore(%run_scoped3A : memref<!tpu.dma_semaphore, #tpu.memory_space<semaphore_mem>>) src(%arg5 : memref<128x128xf32, #tpu.memory_space<vmem>>) dst(%dma_wait3A_45 : memref<128x128xf32, #tpu.memory_space<vmem_shared>>)
      tpu.yield
    }) : () -> ()
    %scan3A_25 = arith.constant 0 : i32
    %scan3A_26 = arith.constant 128 : i32
    %scan3A_27 = arith.addi %scan3A_25, %scan3A_26 : i32
    %scan3A_28 = arith.constant 1 : i32
    scf.for %scan3A_40 = %scan3A_25 to %scan3A_27 step %scan3A_28  : i32 {
      %mul3A_41 = arith.constant 1 : i32
      %mul3A_42 = arith.muli %scan3A_40, %mul3A_41 : i32
      %add3A_43 = arith.constant 0 : i32
      %add3A_44 = arith.addi %add3A_43, %mul3A_42 : i32
      %broadcast_in_dim3A = arith.constant 1.000000e+00 : f32
      %broadcast_in_dim3A_45 = vector.broadcast %broadcast_in_dim3A : f32 to vector<16xf32>
      %swap3A = arith.index_cast %add3A_44 : i32 to index
      %swap3A_46 = arith.constant 0 : index
      %swap3A_47 = tpu.vector_load %arg5[%swap3A, %swap3A_46] {strides = array<i32>} : memref<128x128xf32, #tpu.memory_space<vmem>>, vector<1x16xf32>,
      %swap3A_48 = vector.shape_cast %swap3A_47 : vector<1x16xf32> to vector<16xf32>
      %swap3A_49 = vector.shape_cast %broadcast_in_dim3A_45 : vector<16xf32> to vector<1x16xf32>
      tpu.vector_store %arg5[%swap3A, %swap3A_46], %swap3A_49 {strides = array<i32>} : memref<128x128xf32, #tpu.memory_space<vmem>>, vector<1x16xf32>,
      %broadcast_in_dim3A_50 = arith.constant 1.000000e+00 : f32
      %broadcast_in_dim3A_51 = vector.broadcast %broadcast_in_dim3A_50 : f32 to vector<16xf32>
      %swap3A_52 = arith.index_cast %add3A_44 : i32 to index
      %swap3A_53 = arith.constant 16 : index
      %swap3A_54 = tpu.vector_load %arg5[%swap3A_52, %swap3A_53] {strides = array<i32>} : memref<128x128xf32, #tpu.memory_space<vmem>>, vector<1x16xf32>,
      %swap3A_55 = vector.shape_cast %swap3A_54 : vector<1x16xf32> to vector<16xf32>
      %swap3A_56 = vector.shape_cast %broadcast_in_dim3A_51 : vector<16xf32> to vector<1x16xf32>
      tpu.vector_store %arg5[%swap3A_52, %swap3A_53], %swap3A_56 {strides = array<i32>} : memref<128x128xf32, #tpu.memory_space<vmem>>, vector<1x16xf32>,
      %broadcast_in_dim3A_57 = arith.constant 1.000000e+00 : f32
      %broadcast_in_dim3A_58 = vector.broadcast %broadcast_in_dim3A_57 : f32 to vector<16xf32>
      %swap3A_59 = arith.index_cast %add3A_44 : i32 to index
      %swap3A_60 = arith.constant 32 : index
      %swap3A_61 = tpu.vector_load %arg5[%swap3A_59, %swap3A_60] {strides = array<i32>} : memref<128x128xf32, #tpu.memory_space<vmem>>, vector<1x16xf32>,
      %swap3A_62 = vector.shape_cast %swap3A_61 : vector<1x16xf32> to vector<16xf32>
      %swap3A_63 = vector.shape_cast %broadcast_in_dim3A_58 : vector<16xf32> to vector<1x16xf32>
      tpu.vector_store %arg5[%swap3A_59, %swap3A_60], %swap3A_63 {strides = array<i32>} : memref<128x128xf32, #tpu.memory_space<vmem>>, vector<1x16xf32>,
      %broadcast_in_dim3A_64 = arith.constant 1.000000e+00 : f32
      %broadcast_in_dim3A_65 = vector.broadcast %broadcast_in_dim3A_64 : f32 to vector<16xf32>
      %swap3A_66 = arith.index_cast %add3A_44 : i32 to index
      %swap3A_67 = arith.constant 48 : index
      %swap3A_68 = tpu.vector_load %arg5[%swap3A_66, %swap3A_67] {strides = array<i32>} : memref<128x128xf32, #tpu.memory_space<vmem>>, vector<1x16xf32>,
      %swap3A_69 = vector.shape_cast %swap3A_68 : vector<1x16xf32> to vector<16xf32>
      %swap3A_70 = vector.shape_cast %broadcast_in_dim3A_65 : vector<16xf32> to vector<1x16xf32>
      tpu.vector_store %arg5[%swap3A_66, %swap3A_67], %swap3A_70 {strides = array<i32>} : memref<128x128xf32, #tpu.memory_space<vmem>>, vector<1x16xf32>,
      %broadcast_in_dim3A_71 = arith.constant 1.000000e+00 : f32
      %broadcast_in_dim3A_72 = vector.broadcast %broadcast_in_dim3A_71 : f32 to vector<16xf32>
      %swap3A_73 = arith.index_cast %add3A_44 : i32 to index
      %swap3A_74 = arith.constant 64 : index
      %swap3A_75 = tpu.vector_load %arg5[%swap3A_73, %swap3A_74] {strides = array<i32>} : memref<128x128xf32, #tpu.memory_space<vmem>>, vector<1x16xf32>,
      %swap3A_76 = vector.shape_cast %swap3A_75 : vector<1x16xf32> to vector<16xf32>
      %swap3A_77 = vector.shape_cast %broadcast_in_dim3A_72 : vector<16xf32> to vector<1x16xf32>
      tpu.vector_store %arg5[%swap3A_73, %swap3A_74], %swap3A_77 {strides = array<i32>} : memref<128x128xf32, #tpu.memory_space<vmem>>, vector<1x16xf32>,
      %broadcast_in_dim3A_78 = arith.constant 1.000000e+00 : f32
      %broadcast_in_dim3A_79 = vector.broadcast %broadcast_in_dim3A_78 : f32 to vector<16xf32>
      %swap3A_80 = arith.index_cast %add3A_44 : i32 to index
      %swap3A_81 = arith.constant 80 : index
      %swap3A_82 = tpu.vector_load %arg5[%swap3A_80, %swap3A_81] {strides = array<i32>} : memref<128x128xf32, #tpu.memory_space<vmem>>, vector<1x16xf32>,
      %swap3A_83 = vector.shape_cast %swap3A_82 : vector<1x16xf32> to vector<16xf32>
      %swap3A_84 = vector.shape_cast %broadcast_in_dim3A_79 : vector<16xf32> to vector<1x16xf32>
      tpu.vector_store %arg5[%swap3A_80, %swap3A_81], %swap3A_84 {strides = array<i32>} : memref<128x128xf32, #tpu.memory_space<vmem>>, vector<1x16xf32>,
      %broadcast_in_dim3A_85 = arith.constant 1.000000e+00 : f32
      %broadcast_in_dim3A_86 = vector.broadcast %broadcast_in_dim3A_85 : f32 to vector<16xf32>
      %swap3A_87 = arith.index_cast %add3A_44 : i32 to index
      %swap3A_88 = arith.constant 96 : index
      %swap3A_89 = tpu.vector_load %arg5[%swap3A_87, %swap3A_88] {strides = array<i32>} : memref<128x128xf32, #tpu.memory_space<vmem>>, vector<1x16xf32>,
      %swap3A_90 = vector.shape_cast %swap3A_89 : vector<1x16xf32> to vector<16xf32>
      %swap3A_91 = vector.shape_cast %broadcast_in_dim3A_86 : vector<16xf32> to vector<1x16xf32>
      tpu.vector_store %arg5[%swap3A_87, %swap3A_88], %swap3A_91 {strides = array<i32>} : memref<128x128xf32, #tpu.memory_space<vmem>>, vector<1x16xf32>,
      %broadcast_in_dim3A_92 = arith.constant 1.000000e+00 : f32
      %broadcast_in_dim3A_93 = vector.broadcast %broadcast_in_dim3A_92 : f32 to vector<16xf32>
      %swap3A_94 = arith.index_cast %add3A_44 : i32 to index
      %swap3A_95 = arith.constant 112 : index
      %swap3A_96 = tpu.vector_load %arg5[%swap3A_94, %swap3A_95] {strides = array<i32>} : memref<128x128xf32, #tpu.memory_space<vmem>>, vector<1x16xf32>,
      %swap3A_97 = vector.shape_cast %swap3A_96 : vector<1x16xf32> to vector<16xf32>
      %swap3A_98 = vector.shape_cast %broadcast_in_dim3A_93 : vector<16xf32> to vector<1x16xf32>
      tpu.vector_store %arg5[%swap3A_94, %swap3A_95], %swap3A_98 {strides = array<i32>} : memref<128x128xf32, #tpu.memory_space<vmem>>, vector<1x16xf32>,
    }
    %scan3A_29 = arith.constant 128 : i32
    %barrier3A = arith.constant 0 : index
    tpu.barrier barrier_id(%barrier3A)
    %scan3A_30 = arith.constant 0 : i32
    %scan3A_31 = arith.constant 80 : i32
    %scan3A_32 = arith.addi %scan3A_30, %scan3A_31 : i32
    %scan3A_33 = arith.constant 1 : i32
    scf.for %scan3A_40 = %scan3A_30 to %scan3A_32 step %scan3A_33  : i32 {
      %mul3A_41 = arith.constant 1 : i32
      %mul3A_42 = arith.muli %scan3A_40, %mul3A_41 : i32
      %add3A_43 = arith.constant 0 : i32
      %add3A_44 = arith.addi %add3A_43, %mul3A_42 : i32
      "tpu.region"() ({
        %run_scoped3A = tpu.sem_alloc : memref<!tpu.dma_semaphore, #tpu.memory_space<semaphore_mem>>
        %dma_start3A = arith.constant 0 : i32
        %dma_start3A_45 = tpu.memref_slice %arg4[%add3A_44, %dma_start3A] : memref<80x128xi32, #tpu.memory_space<vmem>> -> memref<1x128xi32, #tpu.memory_space<vmem>>
        %dma_start3A_46 = tpu.memref_squeeze %dma_start3A_45 : memref<1x128xi32, #tpu.memory_space<vmem>> -> memref<128xi32, #tpu.memory_space<vmem>>
        %dma_start3A_47 = arith.constant 0 : i32
        %dma_start3A_48 = arith.constant 0 : i32
        %dma_start3A_49 = tpu.memref_slice %arg6[%dma_start3A_47, %dma_start3A_48] : memref<10240x128xf32, #tpu.memory_space<vmem_shared>> -> memref<10240x128xf32, #tpu.memory_space<vmem_shared>>
        tpu.enqueue_indirect_dma source(%arg5 : memref<128x128xf32, #tpu.memory_space<vmem>>) target(%dma_start3A_49 : memref<10240x128xf32, #tpu.memory_space<vmem_shared>>) offsets(%dma_start3A_46 : memref<128xi32, #tpu.memory_space<vmem>>) semaphore(%run_scoped3A : memref<!tpu.dma_semaphore, #tpu.memory_space<semaphore_mem>>) {add = true}
        %dma_wait3A = arith.constant 0 : i32
        %dma_wait3A_50 = tpu.memref_slice %arg4[%add3A_44, %dma_wait3A] : memref<80x128xi32, #tpu.memory_space<vmem>> -> memref<1x128xi32, #tpu.memory_space<vmem>>
        %dma_wait3A_51 = tpu.memref_squeeze %dma_wait3A_50 : memref<1x128xi32, #tpu.memory_space<vmem>> -> memref<128xi32, #tpu.memory_space<vmem>>
        %dma_wait3A_52 = arith.constant 0 : i32
        %dma_wait3A_53 = arith.constant 0 : i32
        %dma_wait3A_54 = tpu.memref_slice %arg6[%dma_wait3A_52, %dma_wait3A_53] : memref<10240x128xf32, #tpu.memory_space<vmem_shared>> -> memref<10240x128xf32, #tpu.memory_space<vmem_shared>>
        tpu.wait_indirect_dma semaphore(%run_scoped3A : memref<!tpu.dma_semaphore, #tpu.memory_space<semaphore_mem>>) src(%arg5 : memref<128x128xf32, #tpu.memory_space<vmem>>) dst(%dma_wait3A_54 : memref<10240x128xf32, #tpu.memory_space<vmem_shared>>)
        tpu.yield
      }) : () -> ()
    }
    %scan3A_34 = arith.constant 80 : i32
    %barrier3A_35 = arith.constant 0 : index
    tpu.barrier barrier_id(%barrier3A_35)
    %mul3A_36 = arith.constant 640 : i32
    %mul3A_37 = arith.muli %arg1, %mul3A_36 : i32
    %mul3A_38 = arith.constant 640 : i32
    %mul3A_39 = arith.muli %arg1, %mul3A_38 : i32
    "tpu.region"() ({
      %run_scoped3A = tpu.sem_alloc : memref<!tpu.dma_semaphore, #tpu.memory_space<semaphore_mem>>
      %dma_start3A = arith.constant 0 : i32
      %dma_start3A_40 = tpu.memref_slice %arg3[%arg0, %mul3A_39, %dma_start3A] : memref<2x10240x128xf32, #tpu.memory_space<hbm>> -> memref<1x640x128xf32, #tpu.memory_space<hbm>>
      %dma_start3A_41 = tpu.memref_squeeze %dma_start3A_40 : memref<1x640x128xf32, #tpu.memory_space<hbm>> -> memref<640x128xf32, #tpu.memory_space<hbm>>
      %dma_start3A_42 = arith.constant 0 : i32
      %dma_start3A_43 = tpu.memref_slice %arg6[%mul3A_37, %dma_start3A_42] : memref<10240x128xf32, #tpu.memory_space<vmem_shared>> -> memref<640x128xf32, #tpu.memory_space<vmem_shared>>
      tpu.enqueue_dma source(%dma_start3A_43 : memref<640x128xf32, #tpu.memory_space<vmem_shared>>) target(%dma_start3A_41 : memref<640x128xf32, #tpu.memory_space<hbm>>) target_semaphore(%run_scoped3A : memref<!tpu.dma_semaphore, #tpu.memory_space<semaphore_mem>>)
      %dma_wait3A = arith.constant 0 : i32
      %dma_wait3A_44 = tpu.memref_slice %arg3[%arg0, %mul3A_39, %dma_wait3A] : memref<2x10240x128xf32, #tpu.memory_space<hbm>> -> memref<1x640x128xf32, #tpu.memory_space<hbm>>
      %dma_wait3A_45 = tpu.memref_squeeze %dma_wait3A_44 : memref<1x640x128xf32, #tpu.memory_space<hbm>> -> memref<640x128xf32, #tpu.memory_space<hbm>>
      %dma_wait3A_46 = arith.constant 0 : i32
      %dma_wait3A_47 = tpu.memref_slice %arg6[%mul3A_37, %dma_wait3A_46] : memref<10240x128xf32, #tpu.memory_space<vmem_shared>> -> memref<640x128xf32, #tpu.memory_space<vmem_shared>>
      tpu.wait_dma2 semaphore(%run_scoped3A : memref<!tpu.dma_semaphore, #tpu.memory_space<semaphore_mem>>) src(%dma_wait3A_47 : memref<640x128xf32, #tpu.memory_space<vmem_shared>>) dst(%dma_wait3A_45 : memref<640x128xf32, #tpu.memory_space<hbm>>)
      tpu.yield
    }) : () -> ()
    return
  }
}

</mosaic_0001>

<sc_bundles>
// kernel: _deg_call.3.cloned.1.call-start
scs
__scs_entry_jumppad:
0x0: {  	(pc) =	sbr.rel $0x88, $3  }
0x1: {  	(tag) =	ssettag $0x0;
	lr =	simm.s32 $0x1  }
0x2: {  	[smem:$0x3FA0] =	sst lr;
	_ =	strace $0xD0000000  }
0x3: {  	_ = 	snop  }
0x4: {  	_ = 	snop  }
0x5: {  	_ = 	snop  }
0x6: {  	_ = 	snop  }
0x7: {  	_ = 	snop  }
__scs_overlays_trampoline_lowered:
0x8: {  	[smem:$0x3FAF] =	sst s0  }
0x9: {  	[smem:$0x3FB0] =	sst s1  }
0xa: {  	[smem:$0x3FB1] =	sst s2  }
0xb: {  	[smem:$0x3FB2] =	sst s3  }
0xc: {  	[smem:$0x3FB3] =	sst s4  }
0xd: {  	[smem:$0x3FB4] =	sst s5  }
0xe: {  	[smem:$0x3FB5] =	sst s6  }
0xf: {  	[smem:$0x3FB6] =	sst s7  }
0x10: {  	[smem:$0x3FB7] =	sst s8  }
0x11: {  	[smem:$0x3FB8] =	sst s9;
	s0 =	simm.s32 @!p0 $0x0  }
0x12: {  	s1 =	sld [smem:$0x3F9E];
	s0 =	simm.s32 @p0 $0x1  }
0x13: {  	[smem:$0x3FB9] =	sst s0;
	s0 =	simm.s32 @!p1 $0x0  }
0x14: {  	s2 =	sld [smem:$0x3F9D];
	s0 =	simm.s32 @p1 $0x1  }
0x15: {  	[smem:$0x3FBA] =	sst s0;
	s0 =	simm.s32 @!p2 $0x0  }
0x16: {  	s3 =	sld [smem:$0x3FDB];
	s0 =	simm.s32 @p2 $0x1  }
0x17: {  	s4 =	simm.s32 $0x1BF5;
	[smem:$0x3FBC] =	sst s0  }
0x18: {  	s0 =	sld [smem:$0x3F9F];
	_ =	swait.ge [sflag:s4], $0x0  }
0x19: {  	s7 =	sld [smem:$0x3FA0]  }
0x1a: {  	s8 =	sadd.s32 $0xFFFFE003, lr  }
0x1b: {  	s9 =	sadd.s32 $0xFFFFFEF7, lr;
	s5 =	simm.s32 $0xFFFFFFFF;
	p2 =	slt.u32 s8, $0xFFFFF086  }
0x1c: {  	p1 =	slt.u32 s9, $0xF7A;
	s5 =	simm.s32 @!p2 $0x0  }
0x1d: {  	s5 =	simm.s32 @p1 $0x1;
	p0 =	seq.s32 s7, s2  }
0x1e: {  	s7 =	smul.u32 @!p0 $0xF7A, s2;
	p2 =	seq.s32 @!p0 s5, $0x0  }
0x1f: {  	s9 =	smul.u32 $0xF7A, s1;
	s8 =	simm.s32 @!p0 $0x1BF5;
	p2 =	por !p2, p0  }
0x20: {  	[sflag:s8] =	ssyncset.s32 @!p0 $0xFFFFF086;
	s6 =	sadd.s32 @!p0 s3, s7;
	s7 =	simm.s32 @!p0 $0x108  }
0x21: {  	s3 =	sadd.s32 s3, s9;
	s6 =	sadd.s32 @!p0 $0x88, s6;
	s7 =	simm.s32 @p2 $0x1082  }
0x22: {  	[simem:s7], [sflag:s8] =	dma.local @!p0 [hbm:s6], $0xF7A  }
0x23: {  	s9 =	sor.u32 $0xD0000000, s2;
	s6 =	simm.s32 $0x108;
	_ =	swait.ge @!p0 [sflag:s8], $0x0  }
0x24: {  	s3 =	sadd.s32 $0x88, s3;
	s6 =	simm.s32 @!p1 $0x1082;
	[sflag:s4] =	ssyncset.s32 $0xFFFFF086  }
0x25: {  	[simem:s6], [sflag:s4] =	dma.local [hbm:s3], $0xF7A  }
0x26: {  	[smem:$0x3FA0] =	sst s1;
	(tag) =	ssettag s2;
	_ =	strace s9  }
0x27: {  	s1 =	sld [smem:$0x3FB0]  }
0x28: {  	s2 =	sld [smem:$0x3FB1]  }
0x29: {  	s4 =	sld [smem:$0x3FB3]  }
0x2a: {  	p0 =	seq.s32 s5, $0x0;
	s5 =	sld [smem:$0x3FB4]  }
0x2b: {  	s6 =	sld [smem:$0x3FB5]  }
0x2c: {  	s7 =	sld [smem:$0x3FB6]  }
0x2d: {  	s3 =	simm.s32 $0x108;
	s8 =	sld [smem:$0x3FB7]  }
0x2e: {  	s3 =	simm.s32 @!p0 $0x1082;
	s9 =	sld [smem:$0x3FB8]  }
0x2f: {  	lr =	sadd.s32 s0, s3;
	s0 =	sld [smem:$0x3FAF]  }
0x30: {  	s3 =	sld [smem:$0x3FB2]  }
0x31: {  	[smem:$0x3FBB] =	sst s10  }
0x32: {  	s10 =	sld [smem:$0x3FB9];
	_ =	sdelay $0x3  }
0x33: {  	p0 =	seq.s32 s10, $0x1;
	s10 =	sld [smem:$0x3FBB];
	_ =	sdelay $0x3  }
0x34: {  	[smem:$0x3FBB] =	sst s10  }
0x35: {  	s10 =	sld [smem:$0x3FBA];
	_ =	sdelay $0x3  }
0x36: {  	p1 =	seq.s32 s10, $0x1;
	s10 =	sld [smem:$0x3FBB];
	_ =	sdelay $0x3  }
0x37: {  	[smem:$0x3FBB] =	sst s10  }
0x38: {  	s10 =	sld [smem:$0x3FBC]  }
0x39: {  	_ = 	snop;
	(pc) =	sbr.ind lr, $3  }
0x3a: {  	_ = 	snop  }
0x3b: {  	_ = 	snop  }
0x3c: {  	p2 =	seq.s32 s10, $0x1;
	s10 =	sld [smem:$0x3FBB]  }
0x3d: {  	_ =	shalt  }
0x3e: {  	_ =	shalt  }
0x3f: {  	_ =	shalt  }
0x40: {  	_ =	shalt  }
0x41: {  	_ =	shalt  }
0x42: {  	_ =	shalt  }
0x43: {  	_ =	shalt  }
0x44: {  	_ =	shalt  }
0x45: {  	_ =	shalt  }
0x46: {  	_ =	shalt  }
0x47: {  	_ =	shalt  }
0x48: {  	_ =	shalt  }
0x49: {  	_ =	shalt  }
0x4a: {  	_ =	shalt  }
0x4b: {  	_ =	shalt  }
0x4c: {  	_ =	shalt  }
0x4d: {  	_ =	shalt  }
0x4e: {  	_ =	shalt  }
0x4f: {  	_ =	shalt  }
0x50: {  	_ =	shalt  }
0x51: {  	_ =	shalt  }
0x52: {  	_ =	shalt  }
0x53: {  	_ =	shalt  }
0x54: {  	_ =	shalt  }
0x55: {  	_ =	shalt  }
0x56: {  	_ =	shalt  }
0x57: {  	_ =	shalt  }
0x58: {  	_ =	shalt  }
0x59: {  	_ =	shalt  }
0x5a: {  	_ =	shalt  }
0x5b: {  	_ =	shalt  }
0x5c: {  	_ =	shalt  }
0x5d: {  	_ =	shalt  }
0x5e: {  	_ =	shalt  }
0x5f: {  	_ =	shalt  }
0x60: {  	_ =	shalt  }
0x61: {  	_ =	shalt  }
0x62: {  	_ =	shalt  }
0x63: {  	_ =	shalt  }
0x64: {  	_ =	shalt  }
0x65: {  	_ =	shalt  }
0x66: {  	_ =	shalt  }
0x67: {  	_ =	shalt  }
0x68: {  	_ =	shalt  }
0x69: {  	_ =	shalt  }
0x6a: {  	_ =	shalt  }
0x6b: {  	_ =	shalt  }
0x6c: {  	_ =	shalt  }
0x6d: {  	_ =	shalt  }
0x6e: {  	_ =	shalt  }
0x6f: {  	_ =	shalt  }
0x70: {  	_ =	shalt  }
0x71: {  	_ =	shalt  }
0x72: {  	_ =	shalt  }
0x73: {  	_ =	shalt  }
0x74: {  	_ =	shalt  }
0x75: {  	_ =	shalt  }
0x76: {  	_ =	shalt  }
0x77: {  	_ =	shalt  }
0x78: {  	_ =	shalt  }
0x79: {  	_ =	shalt  }
0x7a: {  	_ =	shalt  }
0x7b: {  	_ =	shalt  }
0x7c: {  	_ =	shalt  }
0x7d: {  	_ =	shalt  }
0x7e: {  	_ =	shalt  }
0x7f: {  	_ =	shalt  }
0x80: {  	_ =	shalt  }
0x81: {  	_ =	shalt  }
0x82: {  	_ =	shalt  }
0x83: {  	_ =	shalt  }
0x84: {  	_ =	shalt  }
0x85: {  	_ =	shalt  }
0x86: {  	_ =	shalt  }
0x87: {  	_ =	shalt  }
.Lfunc_end0:
.L_simem_size_0:
called_computation_lowered:
.L_overlay_start_0:
0x88: {  	s2 =	sld [smem:$0x3FD9]  }
0x89: {  	s3 =	sld [smem:$0x3FFE];
	_ =	sdelay $0x1  }
0x8a: {  	s1 =	srdreg.scid  }
0x8b: {  	s0 =	sand.u32 $0x1, s1  }
0x8c: {  	s18 =	sshll.u32 s0, $0xA;
	s2 =	sadd.s32 s3, s2  }
0x8d: {  	s2 =	sadd.s32 s2, s18  }
0x8e: {  	[smem:$0x3FC7] =	sst s2  }
0x8f: {  	_ = 	snop  }
0x90: {  	s2 =	sld [smem:$0x3FC9]  }
0x91: {  	s19 =	sld [smem:$0x3FD0];
	(tm) =	ssettm $0x1  }
0x92: {  	s4 =	sld [smem:$0x3FFB];
	_ =	sdelay $0x3  }
0x93: {  	_ =	strace s4  }
0x94: {  	s4 =	sld [smem:$0x3FFC];
	_ =	sdelay $0x3  }
0x95: {  	_ =	strace s4  }
0x96: {  	s4 =	sld [smem:$0x3FFD];
	_ =	sdelay $0x3  }
0x97: {  	_ =	strace s4  }
0x98: {  	_ =	strace $0x8FFFFFFF  }
0x99: {  	s20 =	sld [smem:$0x3FDB];
	_ =	sdelay $0x1  }
0x9a: {  	s5 =	simm.s32 $_scs_section_size  }
0x9b: {  	s6 =	simm.s32 $_size__tile_overlayer_lowered;
	s7 =	simm.s32 $_tile_overlayer_lowered  }
0x9c: {  	s23 =	simm.s32 $0x1BFF;
	s22 =	sshll.u32 s7, $0x1;
	s4 =	sadd.s32 s5, s20  }
0x9d: {  	s8 =	simm.s32 $0x0;
	s21 =	sshll.u32 s6, $0x1;
	s6 =	sadd.s32 s22, s4  }
0x9e: {  	[timem:s8], [sflag:s23] =	dma.local [hbm:s6], s21  }
0x9f: {  	_ =	swait.ge [sflag:s23], s21  }
0xa0: {  	s5 =	ssub.s32 $0x0, s21;
	[sflag:s23] =	ssyncset.done $0x0  }
0xa1: {  	[sflag:s23] =	ssyncadd.s32 s5;
	_ =	sdelay $0x1  }
0xa2: {  	s24 =	simm.s32 $0x1B8B  }
0xa3: {  	_ =	swait.ge [sflag:s24], $0x1  }
0xa4: {  	[sflag:s24] =	ssyncset.done $0x0  }
0xa5: {  	s25 =	simm.s32 $0x1B8E;
	[sflag:s24] =	ssyncadd.s32 $0xFFFFFFFF  }
0xa6: {  	s26 =	simm.s32 $execute0_lowered;
	[smem:$0x3FD2] =	sst s25  }
0xa7: {  	s5 =	sshll.u32 s26, $0x1;
	_ =	strace $0x80000046;
	[dreg:$0x1] =	wrdreg $0xFFFFFFFF  }
0xa8: {  	s28 =	simm.s32 $_size_execute0_lowered;
	s4 =	sadd.s32 s4, s5;
	[dreg:$0x0] =	wrdreg $0x0  }
0xa9: {  	s5 =	sshll.u32 s28, $0x1;
	[dreg:$0x2] =	wrdreg s4  }
0xaa: {  	[dreg:$0x3] =	wrdreg s5  }
0xab: {  	[dreg:$0x4] =	wrdreg $0xC0  }
0xac: {  	_ =	task [dreg:s8], $0x5FFFF  }
0xad: {  	[dreg:$0x1] =	wrdreg $0xFFFFFFFF  }
0xae: {  	[dreg:$0x0] =	wrdreg $0x60  }
0xaf: {  	[dreg:$0x2] =	wrdreg s2  }
0xb0: {  	[dreg:$0x3] =	wrdreg s19  }
0xb1: {  	[dreg:$0x4] =	wrdreg $0x68000  }
0xb2: {  	[dreg:$0x5] =	wrdreg $0x9  }
0xb3: {  	_ =	task.clear_ibuf [dreg:s8], $0x6FFFF;
	_ =	strace $0x90000046  }
0xb4: {  	s29 =	simm.s32 $0x9;
	_ =	strace $0x80000048  }
0xb5: {  	_ =	swait.ge [sflag:s29], $0x1  }
0xb6: {  	[sflag:s29] =	ssyncadd.s32 $0xFFFFFFFF  }
0xb7: {  	_ =	strace $0x90000048  }
0xb8: {  	_ =	sfence  }
0xb9: {  	s30 =	sld [smem:$0x0];
	_ =	sdelay $0x2  }
0xba: {  	s31 =	sshll.u32 s1, $0xD;
	s1 =	sshrl.u32 s1, $0x2  }
0xbb: {  	s3 =	sand.u32 $0x4000, s31;
	s1 =	sadd.s32 s1, s30  }
0xbc: {  	s0 =	sor.u32 s3, s0;
	s1 =	sshll.u32 s1, $0x11  }
0xbd: {  	s0 =	sor.u32 s1, s0  }
0xbe: {  	s0 =	sadd.s32 $0x8F2B, s0  }
0xbf: {  	[sflag:s0] =	ssyncadd.remote.s32 $0x1  }
0xc0: {  	_ =	sfence.sel $0xFFFF  }
0xc1: {  	[dreg:$0x0] =	wrdreg $0xFFFFFFFF;
	(pc) =	sbr.abs _section_cstart, $3  }
0xc2: {  	[dreg:$0x1] =	wrdreg $0xFFFFFFFF  }
0xc3: {  	_ =	task.clear_ibuf [dreg:s8], $0x2FFFF;
	_ =	strace $0x9FFFFFFF  }
0xc4: {  	(tm) =	ssettm $0x7FFFFFFF  }
0xc5: {  	_ =	shalt  }
tec
execute0_lowered:
.L_overlay_start_1:
0x0: {  	(tag) =	ssettag $0x1  }
0x1: {  	s4 =	rddreg [dreg:$0x0];
	s1 =	srdreg.scid  }
0x2: {  	s0 =	stileid.u32;
	s10 =	rddreg [dreg:$0x1]  }
0x3: {  	s2 =	rddreg [dreg:$0x2];
	s3 =	simm.s32 $0x0;
	s13 =	simm.s32 $0x2800  }
0x4: {  	s14 =	simm.s32 $0x80;
	s17 =	simm.s32 $0x0;
	s5 =	sand.u32 $0x1, s1  }
0x5: {  	s30 =	sshll.u32 s0, $0x1;
	s1 =	rddreg [dreg:$0x3];
	s7 =	smul.u32 $0x50000, s0  }
0x6: {  	[smem:$0x7FF] =	sst s3;
	s11 =	smul.u32 $0x14000, s0;
	s15 =	sshll.u32 s0, $0x6  }
0x7: {  	s6 =	sor.u32 s5, s30;
	s8 =	ssub.s32 $0x2, s5;
	s9 =	smul.u32 $0x140000, s5  }
0x8: {  	_ =	strace $0x80000047;
	s6 =	smul.u32 $0x500, s6;
	s31 =	sshrl.u32 s8, $0x1  }
0x9: {  	s15 =	sor.u32 $0x1C01, s15;
	s7 =	sshrl.u32 s7, $0x2;
	s12 =	ssub.s32 s8, s31  }
0xa: {  	s5 =	sadd.s32 s7, s2;
	s11 =	sadd.s32 s11, s9;
	s4 =	sadd.s32 s4, s6  }
0xb: {  	s6 =	sadd.s32 $0x4000, s5;
	s7 =	sadd.s32 $0x8000, s5;
	s8 =	sadd.s32 $0xC000, s5  }
0xc: {  	s9 =	sadd.s32 $0x10000, s5;
	s11 =	sshrl.u32 s11, $0x3;
	s16 =	sshrl.u32 s5, $0x3  }
0xd: {  	v0 =	vimm.f32 $0.0e+00;
	v1 =	vimm.f32 $1.000000000e+00;
	s10 =	sadd.s32 s10, s11;
	s11 =	smax.u32 s12, $0x1;
	s12 =	simm.s32 $0x1  }
.LBB2_1:
0xe: {  	[tilespmem:s3], [sflag:$0x1] =	stream.linear.gather [hbm4b:s4+s3], $0x2800, $0x38;
	[tilespmem:$0x1A800] =	vst v63  }
0xf: {  	_ =	swait.ge [sflag:s12], $0x2800  }
0x10: {  	[sflag:s12] =	ssyncset.done $0x0  }
0x11: {  	s18 =	simm.s32 $0x0;
	s19 =	simm.s32 $0x200;
	[sflag:s12] =	ssyncadd.s32 $0xFFFFD800  }
.LBB2_2:
0x12: {  	p0 =	sne.s32 s19, $0xFE00;
	[tilespmem:s18+$0x2870] =	vst v0  }
0x13: {  	[tilespmem:s18+$0x2800] =	vst v0  }
0x14: {  	[tilespmem:s18+$0x2810] =	vst v0  }
.Ltmp0:
0x15: {  	[tilespmem:s18+$0x2820] =	vst v0;
	(pc) =	sbr.rel @p0 .LBB2_2-.Ltmp0, $4  }
0x16: {  	[tilespmem:s18+$0x2830] =	vst v0  }
0x17: {  	[tilespmem:s18+$0x2840] =	vst v0  }
0x18: {  	[tilespmem:s18+$0x2850] =	vst v0  }
0x19: {  	[tilespmem:s18+$0x2860] =	vst v0;
	s18 =	sshra.s32 s19, $0x2;
	s19 =	sadd.s32 $0x200, s19  }
0x1a: {  	[tilespmem:s18+$0x2870] =	vst v0  }
0x1b: {  	[tilespmem:s18+$0x2800] =	vst v0  }
0x1c: {  	[tilespmem:s18+$0x2810] =	vst v0  }
0x1d: {  	[tilespmem:s18+$0x2820] =	vst v0  }
0x1e: {  	[tilespmem:s18+$0x2830] =	vst v0  }
0x1f: {  	[tilespmem:s18+$0x2840] =	vst v0  }
0x20: {  	[tilespmem:s18+$0x2850] =	vst v0  }
0x21: {  	[tilespmem:s18+$0x2860] =	vst v0  }
0x22: {  	[spmem:s5] =	stream.linear.scatter [tilespmem:s13], [sflag:$0x1], $0x4000, $0x38;
	[tilespmem:$0x1A800] =	vst v63  }
0x23: {  	_ =	swait.ge [sflag:s12], $0x4000  }
0x24: {  	[sflag:s12] =	ssyncset.done $0x0  }
0x25: {  	[sflag:s12] =	ssyncadd.s32 $0xFFFFC000  }
0x26: {  	[spmem:s6] =	stream.linear.scatter [tilespmem:s13], [sflag:$0x1], $0x4000, $0x38;
	[tilespmem:$0x1A800] =	vst v63  }
0x27: {  	_ =	swait.ge [sflag:s12], $0x4000  }
0x28: {  	[sflag:s12] =	ssyncset.done $0x0  }
0x29: {  	[sflag:s12] =	ssyncadd.s32 $0xFFFFC000  }
0x2a: {  	[spmem:s7] =	stream.linear.scatter [tilespmem:s13], [sflag:$0x1], $0x4000, $0x38;
	[tilespmem:$0x1A800] =	vst v63  }
0x2b: {  	_ =	swait.ge [sflag:s12], $0x4000  }
0x2c: {  	[sflag:s12] =	ssyncset.done $0x0  }
0x2d: {  	[sflag:s12] =	ssyncadd.s32 $0xFFFFC000  }
0x2e: {  	[spmem:s8] =	stream.linear.scatter [tilespmem:s13], [sflag:$0x1], $0x4000, $0x38;
	[tilespmem:$0x1A800] =	vst v63  }
0x2f: {  	_ =	swait.ge [sflag:s12], $0x4000  }
0x30: {  	[sflag:s12] =	ssyncset.done $0x0  }
0x31: {  	[sflag:s12] =	ssyncadd.s32 $0xFFFFC000  }
0x32: {  	[spmem:s9] =	stream.linear.scatter [tilespmem:s13], [sflag:$0x1], $0x4000, $0x38;
	[tilespmem:$0x1A800] =	vst v63  }
0x33: {  	_ =	swait.ge [sflag:s12], $0x4000  }
0x34: {  	[sflag:s12] =	ssyncset.done $0x0  }
0x35: {  	s18 =	simm.s32 $0x0;
	s19 =	simm.s32 $0x200;
	[sflag:s12] =	ssyncadd.s32 $0xFFFFC000  }
.LBB2_4:
0x36: {  	p0 =	sne.s32 s19, $0xFE00;
	[tilespmem:s18+$0x2870] =	vst v1  }
0x37: {  	[tilespmem:s18+$0x2800] =	vst v1  }
0x38: {  	[tilespmem:s18+$0x2810] =	vst v1  }
.Ltmp1:
0x39: {  	[tilespmem:s18+$0x2820] =	vst v1;
	(pc) =	sbr.rel @p0 .LBB2_4-.Ltmp1, $4  }
0x3a: {  	[tilespmem:s18+$0x2830] =	vst v1  }
0x3b: {  	[tilespmem:s18+$0x2840] =	vst v1  }
0x3c: {  	[tilespmem:s18+$0x2850] =	vst v1  }
0x3d: {  	[tilespmem:s18+$0x2860] =	vst v1;
	s18 =	sshra.s32 s19, $0x2;
	s19 =	sadd.s32 $0x200, s19  }
0x3e: {  	[tilespmem:s18+$0x2870] =	vst v1  }
0x3f: {  	[tilespmem:s18+$0x2800] =	vst v1  }
0x40: {  	[tilespmem:s18+$0x2810] =	vst v1  }
0x41: {  	[tilespmem:s18+$0x2820] =	vst v1  }
0x42: {  	[tilespmem:s18+$0x2830] =	vst v1  }
0x43: {  	[tilespmem:s18+$0x2840] =	vst v1  }
0x44: {  	[tilespmem:s18+$0x2850] =	vst v1  }
0x45: {  	[tilespmem:s18+$0x2860] =	vst v1  }
0x46: {  	s31 =	simm.s32 $0x0;
	[bflag:$0x0] =	sbarrier.arrive $0xFFFF  }
0x47: {  	[spmem:s2] =	stream.indirect.scatter.add.f32 [tilespmem:s13], [sflag:$0x1], $0x80, s31, s14, $0xb8;
	[tilespmem:$0x1A800] =	vst v63  }
0x48: {  	_ =	swait.ge [sflag:s12], $0x4000  }
0x49: {  	s18 =	simm.s32 $0x200;
	[sflag:s12] =	ssyncset.done $0x0  }
.LBB2_6:
0x4a: {  	s19 =	sshra.s32 s18, $0x2;
	[sflag:s12] =	ssyncadd.s32 $0xFFFFC000;
	p0 =	sne.s32 s18, $0x9E00  }
0x4b: {  	[spmem:s2] =	stream.indirect.scatter.add.f32 [tilespmem:s13], [sflag:$0x1], $0x80, s19, s14, $0xb8;
	[tilespmem:$0x1A800] =	vst v63  }
.Ltmp2:
0x4c: {  	_ = 	snop;
	(pc) =	sbr.rel @p0 .LBB2_6-.Ltmp2, $4  }
0x4d: {  	_ = 	snop  }
0x4e: {  	s18 =	sadd.s32 $0x200, s18  }
0x4f: {  	_ =	swait.ge [sflag:s12], $0x4000  }
0x50: {  	[sflag:s12] =	ssyncset.done $0x0  }
0x51: {  	s17 =	sadd.s32 $0x1, s17  }
0x52: {  	[sflag:s12] =	ssyncadd.s32 $0xFFFFC000;
	p0 =	sne.s32 s17, s11  }
.Ltmp3:
0x53: {  	[bflag:$0x0] =	sbarrier.arrive $0xFFFF;
	(pc) =	sbr.rel @p0 .LBB2_1-.Ltmp3, $4  }
0x54: {  	[hbm:s10], [sflag:s15] =	dma.local [spmem:s16], $0x2800  }
0x55: {  	_ =	swait.ge [sflag:s12], $0x2800  }
0x56: {  	[sflag:s12] =	ssyncset.done $0x0  }
0x57: {  	[sflag:s12] =	ssyncadd.s32 $0xFFFFD800  }
0x58: {  	_ =	sfence.sel $0x180000  }
0x59: {  	[bflag:$0x0] =	sbarrier.arrive $0xFFFF  }
0x5a: {  	p0 =	sne.s32 s0, $0x0;
	_ =	strace $0x90000047  }
0x5b: {  	s0 =	sadd.s32 @!p0 $0x100000, s1;
	[bflag:$0x2] =	sbarrier.arrive $0xFFFF  }
0x5c: {  	[sflag:s0] =	ssyncadd.tile.s32 @!p0 $0x1;
	_ =	shalt  }
.Lfunc_end2:
_tile_overlayer_lowered:
.L_overlay_start_2:
0x5d: {  	(tag) =	ssettag $0x2  }
0x5e: {  	s0 =	rddreg [dreg:$0x0];
	s2 =	stileid.u32  }
0x5f: {  	s1 =	rddreg [dreg:$0x1];
	p0 =	sne.s32 s2, $0x0  }
0x60: {  	s3 =	rddreg [dreg:$0x2];
	[bflag:$0x3] =	sbarrier.arrive $0xFFFF;
	s2 =	simm.s32 @!p0 $0x1C01  }
0x61: {  	[timem:s3], [sflag:s2] =	dma.local @!p0 [hbm:s0], s1  }
0x62: {  	s0 =	simm.s32 @!p0 $0x1  }
0x63: {  	_ =	swait.ge @!p0 [sflag:s0], s1  }
0x64: {  	s1 =	ssub.s32 @!p0 $0x0, s1;
	[sflag:s0] =	ssyncset.done @!p0 $0x0  }
0x65: {  	[sflag:s0] =	ssyncadd.s32 @!p0 s1  }
0x66: {  	[bflag:$0x3] =	sbarrier.arrive $0xFFFF  }
0x67: {  	_ =	shalt  }

</sc_bundles>
